<compile_context>
chip_gen: v7x
topology: tpu7x:2x2x1
jax: 0.10.2.dev20260603
libtpu: 0.0.44.dev20260713+nightly
codegen_flags: <defaults>
</compile_context>

<pallas_src>
import functools

import jax
import jax.numpy as jnp
from jax import lax
from jax.experimental import pallas as pl
from jax.experimental.pallas import tpu as pltpu
from jax.experimental.pallas import tpu_sc as plsc

N = 10000
CIN = 128
COUT = 128
KVOL = 27
EPK = 11852

NC = 2
NS = 16
NW = NC * NS
CHUNK = 128
NBAND = 3
KB = KVOL // NBAND
CPB = 27
PPB = NW * CPB * CHUNK
BAND_ROWS = KB * N
ROWS_PER_SUB = 632
NPAD = NS * ROWS_PER_SUB
DUMMY = N


def _mm_body(x_ref, w_ref, y_ref):
    y_ref[0] = jnp.dot(x_ref[...], w_ref[0], preferred_element_type=jnp.float32)


def _matmul_all_offsets(x, w):
    return pl.pallas_call(
        _mm_body,
        grid=(KVOL,),
        in_specs=[
            pl.BlockSpec((N, CIN), lambda k: (0, 0)),
            pl.BlockSpec((1, CIN, COUT), lambda k: (k, 0, 0)),
        ],
        out_specs=pl.BlockSpec((1, N, COUT), lambda k: (k, 0, 0)),
        out_shape=jax.ShapeDtypeStruct((KVOL, N, COUT), jnp.float32),
    )(x, w)


def _sc_body(ya_hbm, yb_hbm, yc_hbm, gidx_hbm, oidx_hbm, zeros_hbm, part_hbm,
             idx_g, idx_o, rows, acc, sem):
    c = lax.axis_index("c")
    s = lax.axis_index("s")
    wid = c * NS + s
    pltpu.sync_copy(zeros_hbm.at[pl.ds(s * ROWS_PER_SUB, ROWS_PER_SUB)],
                    acc.at[pl.ds(s * ROWS_PER_SUB, ROWS_PER_SUB)])
    plsc.subcore_barrier()

    for band, tbl in enumerate((ya_hbm, yb_hbm, yc_hbm)):
        base = band * PPB + wid * (CPB * CHUNK)

        @pl.loop(0, CPB)
        def _(j, base=base, tbl=tbl):
            off = base + j * CHUNK
            pltpu.sync_copy(gidx_hbm.at[pl.ds(off, CHUNK)], idx_g)
            pltpu.sync_copy(oidx_hbm.at[pl.ds(off, CHUNK)], idx_o)
            pltpu.async_copy(tbl.at[idx_g], rows, sem).wait()
            pltpu.sync_copy(rows, acc.at[idx_o], add=True)

    plsc.subcore_barrier()
    pltpu.sync_copy(acc.at[pl.ds(s * ROWS_PER_SUB, ROWS_PER_SUB)],
                    part_hbm.at[c].at[pl.ds(s * ROWS_PER_SUB, ROWS_PER_SUB)])


@functools.partial(
    pl.kernel,
    out_type=jax.ShapeDtypeStruct((NC, NPAD, COUT), jnp.float32),
    mesh=plsc.VectorSubcoreMesh(core_axis_name="c", subcore_axis_name="s"),
    scratch_types=[
        pltpu.VMEM((CHUNK,), jnp.int32),
        pltpu.VMEM((CHUNK,), jnp.int32),
        pltpu.VMEM((CHUNK, COUT), jnp.float32),
        pltpu.VMEM_SHARED((NPAD, COUT), jnp.float32),
        pltpu.SemaphoreType.DMA,
    ],
)
def _sc_gather_scatter(ya_hbm, yb_hbm, yc_hbm, gidx_hbm, oidx_hbm, zeros_hbm,
                       part_hbm, idx_g, idx_o, rows, acc, sem):
    _sc_body(ya_hbm, yb_hbm, yc_hbm, gidx_hbm, oidx_hbm, zeros_hbm, part_hbm,
             idx_g, idx_o, rows, acc, sem)


def _add_body(p_ref, b_ref, o_ref):
    o_ref[...] = p_ref[0] + p_ref[1] + b_ref[...]


def _final_add(part, bias):
    return pl.pallas_call(
        _add_body,
        grid=(5,),
        in_specs=[
            pl.BlockSpec((NC, N // 5, COUT), lambda i: (0, i, 0)),
            pl.BlockSpec((1, COUT), lambda i: (0, 0)),
        ],
        out_specs=pl.BlockSpec((N // 5, COUT), lambda i: (i, 0)),
        out_shape=jax.ShapeDtypeStruct((N, COUT), jnp.float32),
    )(part, bias.reshape(1, COUT))


def kernel(x, imap, omap, kernel, bias):
    y = _matmul_all_offsets(x, kernel)
    ya, yb, yc = (y[b * KB:(b + 1) * KB].reshape(BAND_ROWS, COUT)
                  for b in range(NBAND))
    klocal = (jnp.arange(KVOL, dtype=jnp.int32) % KB) * N
    gidx = jnp.pad((imap + klocal[:, None]).reshape(NBAND, KB * EPK),
                   ((0, 0), (0, PPB - KB * EPK))).reshape(-1)
    oidx = jnp.pad(omap.reshape(NBAND, KB * EPK),
                   ((0, 0), (0, PPB - KB * EPK)),
                   constant_values=DUMMY).reshape(-1)
    zeros = jnp.zeros((NPAD, COUT), jnp.float32)
    part = _sc_gather_scatter(ya, yb, yc, gidx, oidx, zeros)
    return _final_add(part, bias)

# --- scband reference (transcript-rebuilt; emitter-appended) ---
"""Pipeline reference for scband-conv3d-56392920596825 (READ-ONLY COPY).

The authoritative reference and input builder live on the scoring server;
editing this copy changes nothing except your own understanding.
"""

import jax, jax.numpy as jnp
import numpy as np

N = 10000      # number of active (nonzero) voxels
CIN = 128      # in_channel
COUT = 128     # out_channel
KVOL = 27      # kernel volume for 3x3x3 sparse conv
EPK = 11852    # mapped (input, output) pairs per kernel offset


def setup_inputs(seed: int = 0) -> dict:
    key = jax.random.key(seed)
    k1, k2, k3, k4, k5 = jax.random.split(key, 5)
    x = jax.random.normal(k1, (N, CIN), dtype=jnp.float32)
    # kernel map: for each of the 27 kernel offsets, which input voxel
    # contributes to which output voxel (gather -> GEMM -> scatter-add)
    imap = jax.random.randint(k2, (KVOL, EPK), 0, N, dtype=jnp.int32)
    omap = jax.random.randint(k3, (KVOL, EPK), 0, N, dtype=jnp.int32)
    # learned parameters: per-offset weight matrices and bias
    kernel = (jax.random.normal(k4, (KVOL, CIN, COUT), dtype=jnp.float32) * 0.05)
    bias = jax.random.normal(k5, (COUT,), dtype=jnp.float32) * 0.05
    return {"x": x, "imap": imap, "omap": omap, "kernel": kernel, "bias": bias}


def reference(x, imap, omap, kernel, bias):
    # Faithful translation of the sparse 3D conv compute path (conv_d1/conv_d2):
    # for each kernel offset k: gather input feats via imap[k], multiply by
    # the k-th weight slice, scatter-add into output rows via omap[k].
    # (stride=[1,1,1], non-transposed => output coords == input coords, out_nnz == N)
    out = jnp.zeros((N, COUT), dtype=x.dtype)
    for k in range(KVOL):
        gathered = jnp.take(x, imap[k], axis=0)        # [EPK, CIN] gather
        partial = gathered @ kernel[k]                  # [EPK, COUT] GEMM
        out = out.at[omap[k]].add(partial)              # scatter-add
    out = out + bias
    return out

if __name__ == "__main__":
    import jax
    _d = setup_inputs()
    print(jax.jit(kernel)(*tuple(_d.values())))

</pallas_src>

<mosaic_0001>
#map = affine_map<(d0, d1) -> (0, 0)>
#map1 = affine_map<(d0, d1) -> (0)>
#map2 = affine_map<(d0, d1) -> (0, 0, 0)>
module attributes {stable_mosaic.version = 14 : i64} {
  func.func @_sc_gather_scatter(%arg0: i32, %arg1: i32, %arg2: memref<90000x128xf32, #tpu.memory_space<hbm>>, %arg3: memref<90000x128xf32, #tpu.memory_space<hbm>>, %arg4: memref<90000x128xf32, #tpu.memory_space<hbm>>, %arg5: memref<331776xi32, #tpu.memory_space<hbm>>, %arg6: memref<331776xi32, #tpu.memory_space<hbm>>, %arg7: memref<10112x128xf32, #tpu.memory_space<hbm>>, %arg8: memref<2x10112x128xf32, #tpu.memory_space<hbm>>, %arg9: memref<128xi32, #tpu.memory_space<vmem>>, %arg10: memref<128xi32, #tpu.memory_space<vmem>>, %arg11: memref<128x128xf32, #tpu.memory_space<vmem>>, %arg12: memref<10112x128xf32, #tpu.memory_space<vmem_shared>>, %arg13: memref<!tpu.dma_semaphore, #tpu.memory_space<semaphore_mem>>) attributes {dimension_semantics = [#tpu.dimension_semantics<core_parallel>, #tpu.dimension_semantics<subcore_parallel>], iteration_bounds = array<i64: 2, 16>, scalar_prefetch = 0 : i64, scratch_operands = 5 : i64, tpu.core_type = #tpu.core_type<sc_vector_subcore>, window_params = [{transform_indices = #map}, {transform_indices = #map}, {transform_indices = #map}, {transform_indices = #map1}, {transform_indices = #map1}, {transform_indices = #map}, {transform_indices = #map2}]} {
    %mul3A = arith.constant 16 : i32
    %mul3A_0 = arith.muli %arg0, %mul3A : i32
    %add3A = arith.addi %mul3A_0, %arg1 : i32
    %mul3A_1 = arith.constant 632 : i32
    %mul3A_2 = arith.muli %arg1, %mul3A_1 : i32
    %mul3A_3 = arith.constant 632 : i32
    %mul3A_4 = arith.muli %arg1, %mul3A_3 : i32
    "tpu.region"() ({
      %run_scoped3A = tpu.sem_alloc : memref<!tpu.dma_semaphore, #tpu.memory_space<semaphore_mem>>
      %dma_start3A = arith.constant 0 : i32
      %dma_start3A_36 = tpu.memref_slice %arg12[%mul3A_4, %dma_start3A] : memref<10112x128xf32, #tpu.memory_space<vmem_shared>> -> memref<632x128xf32, #tpu.memory_space<vmem_shared>>
      %dma_start3A_37 = arith.constant 0 : i32
      %dma_start3A_38 = tpu.memref_slice %arg7[%mul3A_2, %dma_start3A_37] : memref<10112x128xf32, #tpu.memory_space<hbm>> -> memref<632x128xf32, #tpu.memory_space<hbm>>
      tpu.enqueue_dma source(%dma_start3A_38 : memref<632x128xf32, #tpu.memory_space<hbm>>) target(%dma_start3A_36 : memref<632x128xf32, #tpu.memory_space<vmem_shared>>) target_semaphore(%run_scoped3A : memref<!tpu.dma_semaphore, #tpu.memory_space<semaphore_mem>>)
      %dma_wait3A = arith.constant 0 : i32
      %dma_wait3A_39 = tpu.memref_slice %arg12[%mul3A_4, %dma_wait3A] : memref<10112x128xf32, #tpu.memory_space<vmem_shared>> -> memref<632x128xf32, #tpu.memory_space<vmem_shared>>
      %dma_wait3A_40 = arith.constant 0 : i32
      %dma_wait3A_41 = tpu.memref_slice %arg7[%mul3A_2, %dma_wait3A_40] : memref<10112x128xf32, #tpu.memory_space<hbm>> -> memref<632x128xf32, #tpu.memory_space<hbm>>
      tpu.wait_dma2 semaphore(%run_scoped3A : memref<!tpu.dma_semaphore, #tpu.memory_space<semaphore_mem>>) src(%dma_wait3A_41 : memref<632x128xf32, #tpu.memory_space<hbm>>) dst(%dma_wait3A_39 : memref<632x128xf32, #tpu.memory_space<vmem_shared>>)
      tpu.yield
    }) : () -> ()
    %barrier3A = arith.constant 0 : index
    tpu.barrier barrier_id(%barrier3A)
    %mul3A_5 = arith.constant 3456 : i32
    %mul3A_6 = arith.muli %add3A, %mul3A_5 : i32
    %add3A_7 = arith.constant 0 : i32
    %add3A_8 = arith.addi %add3A_7, %mul3A_6 : i32
    %scan3A = arith.constant 0 : i32
    %scan3A_9 = arith.constant 27 : i32
    %scan3A_10 = arith.addi %scan3A, %scan3A_9 : i32
    %scan3A_11 = arith.constant 1 : i32
    scf.for %scan3A_36 = %scan3A to %scan3A_10 step %scan3A_11  : i32 {
      %mul3A_37 = arith.constant 1 : i32
      %mul3A_38 = arith.muli %scan3A_36, %mul3A_37 : i32
      %add3A_39 = arith.constant 0 : i32
      %add3A_40 = arith.addi %add3A_39, %mul3A_38 : i32
      %mul3A_41 = arith.constant 128 : i32
      %mul3A_42 = arith.muli %add3A_40, %mul3A_41 : i32
      %add3A_43 = arith.addi %add3A_8, %mul3A_42 : i32
      "tpu.region"() ({
        %run_scoped3A = tpu.sem_alloc : memref<!tpu.dma_semaphore, #tpu.memory_space<semaphore_mem>>
        %dma_start3A_48 = tpu.memref_slice %arg5[%add3A_43] : memref<331776xi32, #tpu.memory_space<hbm>> -> memref<128xi32, #tpu.memory_space<hbm>>
        %dma_start3A_49 = tpu.memref_slice %arg5[%add3A_43] : memref<331776xi32, #tpu.memory_space<hbm>> -> memref<128xi32, #tpu.memory_space<hbm>>
        tpu.enqueue_dma source(%dma_start3A_49 : memref<128xi32, #tpu.memory_space<hbm>>) target(%arg9 : memref<128xi32, #tpu.memory_space<vmem>>) target_semaphore(%run_scoped3A : memref<!tpu.dma_semaphore, #tpu.memory_space<semaphore_mem>>)
        %dma_wait3A_50 = tpu.memref_slice %arg5[%add3A_43] : memref<331776xi32, #tpu.memory_space<hbm>> -> memref<128xi32, #tpu.memory_space<hbm>>
        %dma_wait3A_51 = tpu.memref_slice %arg5[%add3A_43] : memref<331776xi32, #tpu.memory_space<hbm>> -> memref<128xi32, #tpu.memory_space<hbm>>
        tpu.wait_dma2 semaphore(%run_scoped3A : memref<!tpu.dma_semaphore, #tpu.memory_space<semaphore_mem>>) src(%dma_wait3A_51 : memref<128xi32, #tpu.memory_space<hbm>>) dst(%arg9 : memref<128xi32, #tpu.memory_space<vmem>>)
        tpu.yield
      }) : () -> ()
      "tpu.region"() ({
        %run_scoped3A = tpu.sem_alloc : memref<!tpu.dma_semaphore, #tpu.memory_space<semaphore_mem>>
        %dma_start3A_48 = tpu.memref_slice %arg6[%add3A_43] : memref<331776xi32, #tpu.memory_space<hbm>> -> memref<128xi32, #tpu.memory_space<hbm>>
        %dma_start3A_49 = tpu.memref_slice %arg6[%add3A_43] : memref<331776xi32, #tpu.memory_space<hbm>> -> memref<128xi32, #tpu.memory_space<hbm>>
        tpu.enqueue_dma source(%dma_start3A_49 : memref<128xi32, #tpu.memory_space<hbm>>) target(%arg10 : memref<128xi32, #tpu.memory_space<vmem>>) target_semaphore(%run_scoped3A : memref<!tpu.dma_semaphore, #tpu.memory_space<semaphore_mem>>)
        %dma_wait3A_50 = tpu.memref_slice %arg6[%add3A_43] : memref<331776xi32, #tpu.memory_space<hbm>> -> memref<128xi32, #tpu.memory_space<hbm>>
        %dma_wait3A_51 = tpu.memref_slice %arg6[%add3A_43] : memref<331776xi32, #tpu.memory_space<hbm>> -> memref<128xi32, #tpu.memory_space<hbm>>
        tpu.wait_dma2 semaphore(%run_scoped3A : memref<!tpu.dma_semaphore, #tpu.memory_space<semaphore_mem>>) src(%dma_wait3A_51 : memref<128xi32, #tpu.memory_space<hbm>>) dst(%arg10 : memref<128xi32, #tpu.memory_space<vmem>>)
        tpu.yield
      }) : () -> ()
      %dma_start3A = arith.constant 0 : i32
      %dma_start3A_44 = arith.constant 0 : i32
      %dma_start3A_45 = tpu.memref_slice %arg2[%dma_start3A, %dma_start3A_44] : memref<90000x128xf32, #tpu.memory_space<hbm>> -> memref<90000x128xf32, #tpu.memory_space<hbm>>
      tpu.enqueue_indirect_dma source(%dma_start3A_45 : memref<90000x128xf32, #tpu.memory_space<hbm>>) target(%arg11 : memref<128x128xf32, #tpu.memory_space<vmem>>) offsets(%arg9 : memref<128xi32, #tpu.memory_space<vmem>>) semaphore(%arg13 : memref<!tpu.dma_semaphore, #tpu.memory_space<semaphore_mem>>)
      %dma_wait3A = arith.constant 0 : i32
      %dma_wait3A_46 = arith.constant 0 : i32
      %dma_wait3A_47 = tpu.memref_slice %arg2[%dma_wait3A, %dma_wait3A_46] : memref<90000x128xf32, #tpu.memory_space<hbm>> -> memref<90000x128xf32, #tpu.memory_space<hbm>>
      tpu.wait_indirect_dma semaphore(%arg13 : memref<!tpu.dma_semaphore, #tpu.memory_space<semaphore_mem>>) src(%dma_wait3A_47 : memref<90000x128xf32, #tpu.memory_space<hbm>>) dst(%arg11 : memref<128x128xf32, #tpu.memory_space<vmem>>)
      "tpu.region"() ({
        %run_scoped3A = tpu.sem_alloc : memref<!tpu.dma_semaphore, #tpu.memory_space<semaphore_mem>>
        %dma_start3A_48 = arith.constant 0 : i32
        %dma_start3A_49 = arith.constant 0 : i32
        %dma_start3A_50 = tpu.memref_slice %arg12[%dma_start3A_48, %dma_start3A_49] : memref<10112x128xf32, #tpu.memory_space<vmem_shared>> -> memref<10112x128xf32, #tpu.memory_space<vmem_shared>>
        tpu.enqueue_indirect_dma source(%arg11 : memref<128x128xf32, #tpu.memory_space<vmem>>) target(%dma_start3A_50 : memref<10112x128xf32, #tpu.memory_space<vmem_shared>>) offsets(%arg10 : memref<128xi32, #tpu.memory_space<vmem>>) semaphore(%run_scoped3A : memref<!tpu.dma_semaphore, #tpu.memory_space<semaphore_mem>>) {add = true}
        %dma_wait3A_51 = arith.constant 0 : i32
        %dma_wait3A_52 = arith.constant 0 : i32
        %dma_wait3A_53 = tpu.memref_slice %arg12[%dma_wait3A_51, %dma_wait3A_52] : memref<10112x128xf32, #tpu.memory_space<vmem_shared>> -> memref<10112x128xf32, #tpu.memory_space<vmem_shared>>
        tpu.wait_indirect_dma semaphore(%run_scoped3A : memref<!tpu.dma_semaphore, #tpu.memory_space<semaphore_mem>>) src(%arg11 : memref<128x128xf32, #tpu.memory_space<vmem>>) dst(%dma_wait3A_53 : memref<10112x128xf32, #tpu.memory_space<vmem_shared>>)
        tpu.yield
      }) : () -> ()
    }
    %scan3A_12 = arith.constant 27 : i32
    %mul3A_13 = arith.constant 3456 : i32
    %mul3A_14 = arith.muli %add3A, %mul3A_13 : i32
    %add3A_15 = arith.constant 110592 : i32
    %add3A_16 = arith.addi %add3A_15, %mul3A_14 : i32
    %scan3A_17 = arith.constant 0 : i32
    %scan3A_18 = arith.constant 27 : i32
    %scan3A_19 = arith.addi %scan3A_17, %scan3A_18 : i32
    %scan3A_20 = arith.constant 1 : i32
    scf.for %scan3A_36 = %scan3A_17 to %scan3A_19 step %scan3A_20  : i32 {
      %mul3A_37 = arith.constant 1 : i32
      %mul3A_38 = arith.muli %scan3A_36, %mul3A_37 : i32
      %add3A_39 = arith.constant 0 : i32
      %add3A_40 = arith.addi %add3A_39, %mul3A_38 : i32
      %mul3A_41 = arith.constant 128 : i32
      %mul3A_42 = arith.muli %add3A_40, %mul3A_41 : i32
      %add3A_43 = arith.addi %add3A_16, %mul3A_42 : i32
      "tpu.region"() ({
        %run_scoped3A = tpu.sem_alloc : memref<!tpu.dma_semaphore, #tpu.memory_space<semaphore_mem>>
        %dma_start3A_48 = tpu.memref_slice %arg5[%add3A_43] : memref<331776xi32, #tpu.memory_space<hbm>> -> memref<128xi32, #tpu.memory_space<hbm>>
        %dma_start3A_49 = tpu.memref_slice %arg5[%add3A_43] : memref<331776xi32, #tpu.memory_space<hbm>> -> memref<128xi32, #tpu.memory_space<hbm>>
        tpu.enqueue_dma source(%dma_start3A_49 : memref<128xi32, #tpu.memory_space<hbm>>) target(%arg9 : memref<128xi32, #tpu.memory_space<vmem>>) target_semaphore(%run_scoped3A : memref<!tpu.dma_semaphore, #tpu.memory_space<semaphore_mem>>)
        %dma_wait3A_50 = tpu.memref_slice %arg5[%add3A_43] : memref<331776xi32, #tpu.memory_space<hbm>> -> memref<128xi32, #tpu.memory_space<hbm>>
        %dma_wait3A_51 = tpu.memref_slice %arg5[%add3A_43] : memref<331776xi32, #tpu.memory_space<hbm>> -> memref<128xi32, #tpu.memory_space<hbm>>
        tpu.wait_dma2 semaphore(%run_scoped3A : memref<!tpu.dma_semaphore, #tpu.memory_space<semaphore_mem>>) src(%dma_wait3A_51 : memref<128xi32, #tpu.memory_space<hbm>>) dst(%arg9 : memref<128xi32, #tpu.memory_space<vmem>>)
        tpu.yield
      }) : () -> ()
      "tpu.region"() ({
        %run_scoped3A = tpu.sem_alloc : memref<!tpu.dma_semaphore, #tpu.memory_space<semaphore_mem>>
        %dma_start3A_48 = tpu.memref_slice %arg6[%add3A_43] : memref<331776xi32, #tpu.memory_space<hbm>> -> memref<128xi32, #tpu.memory_space<hbm>>
        %dma_start3A_49 = tpu.memref_slice %arg6[%add3A_43] : memref<331776xi32, #tpu.memory_space<hbm>> -> memref<128xi32, #tpu.memory_space<hbm>>
        tpu.enqueue_dma source(%dma_start3A_49 : memref<128xi32, #tpu.memory_space<hbm>>) target(%arg10 : memref<128xi32, #tpu.memory_space<vmem>>) target_semaphore(%run_scoped3A : memref<!tpu.dma_semaphore, #tpu.memory_space<semaphore_mem>>)
        %dma_wait3A_50 = tpu.memref_slice %arg6[%add3A_43] : memref<331776xi32, #tpu.memory_space<hbm>> -> memref<128xi32, #tpu.memory_space<hbm>>
        %dma_wait3A_51 = tpu.memref_slice %arg6[%add3A_43] : memref<331776xi32, #tpu.memory_space<hbm>> -> memref<128xi32, #tpu.memory_space<hbm>>
        tpu.wait_dma2 semaphore(%run_scoped3A : memref<!tpu.dma_semaphore, #tpu.memory_space<semaphore_mem>>) src(%dma_wait3A_51 : memref<128xi32, #tpu.memory_space<hbm>>) dst(%arg10 : memref<128xi32, #tpu.memory_space<vmem>>)
        tpu.yield
      }) : () -> ()
      %dma_start3A = arith.constant 0 : i32
      %dma_start3A_44 = arith.constant 0 : i32
      %dma_start3A_45 = tpu.memref_slice %arg3[%dma_start3A, %dma_start3A_44] : memref<90000x128xf32, #tpu.memory_space<hbm>> -> memref<90000x128xf32, #tpu.memory_space<hbm>>
      tpu.enqueue_indirect_dma source(%dma_start3A_45 : memref<90000x128xf32, #tpu.memory_space<hbm>>) target(%arg11 : memref<128x128xf32, #tpu.memory_space<vmem>>) offsets(%arg9 : memref<128xi32, #tpu.memory_space<vmem>>) semaphore(%arg13 : memref<!tpu.dma_semaphore, #tpu.memory_space<semaphore_mem>>)
      %dma_wait3A = arith.constant 0 : i32
      %dma_wait3A_46 = arith.constant 0 : i32
      %dma_wait3A_47 = tpu.memref_slice %arg3[%dma_wait3A, %dma_wait3A_46] : memref<90000x128xf32, #tpu.memory_space<hbm>> -> memref<90000x128xf32, #tpu.memory_space<hbm>>
      tpu.wait_indirect_dma semaphore(%arg13 : memref<!tpu.dma_semaphore, #tpu.memory_space<semaphore_mem>>) src(%dma_wait3A_47 : memref<90000x128xf32, #tpu.memory_space<hbm>>) dst(%arg11 : memref<128x128xf32, #tpu.memory_space<vmem>>)
      "tpu.region"() ({
        %run_scoped3A = tpu.sem_alloc : memref<!tpu.dma_semaphore, #tpu.memory_space<semaphore_mem>>
        %dma_start3A_48 = arith.constant 0 : i32
        %dma_start3A_49 = arith.constant 0 : i32
        %dma_start3A_50 = tpu.memref_slice %arg12[%dma_start3A_48, %dma_start3A_49] : memref<10112x128xf32, #tpu.memory_space<vmem_shared>> -> memref<10112x128xf32, #tpu.memory_space<vmem_shared>>
        tpu.enqueue_indirect_dma source(%arg11 : memref<128x128xf32, #tpu.memory_space<vmem>>) target(%dma_start3A_50 : memref<10112x128xf32, #tpu.memory_space<vmem_shared>>) offsets(%arg10 : memref<128xi32, #tpu.memory_space<vmem>>) semaphore(%run_scoped3A : memref<!tpu.dma_semaphore, #tpu.memory_space<semaphore_mem>>) {add = true}
        %dma_wait3A_51 = arith.constant 0 : i32
        %dma_wait3A_52 = arith.constant 0 : i32
        %dma_wait3A_53 = tpu.memref_slice %arg12[%dma_wait3A_51, %dma_wait3A_52] : memref<10112x128xf32, #tpu.memory_space<vmem_shared>> -> memref<10112x128xf32, #tpu.memory_space<vmem_shared>>
        tpu.wait_indirect_dma semaphore(%run_scoped3A : memref<!tpu.dma_semaphore, #tpu.memory_space<semaphore_mem>>) src(%arg11 : memref<128x128xf32, #tpu.memory_space<vmem>>) dst(%dma_wait3A_53 : memref<10112x128xf32, #tpu.memory_space<vmem_shared>>)
        tpu.yield
      }) : () -> ()
    }
    %scan3A_21 = arith.constant 27 : i32
    %mul3A_22 = arith.constant 3456 : i32
    %mul3A_23 = arith.muli %add3A, %mul3A_22 : i32
    %add3A_24 = arith.constant 221184 : i32
    %add3A_25 = arith.addi %add3A_24, %mul3A_23 : i32
    %scan3A_26 = arith.constant 0 : i32
    %scan3A_27 = arith.constant 27 : i32
    %scan3A_28 = arith.addi %scan3A_26, %scan3A_27 : i32
    %scan3A_29 = arith.constant 1 : i32
    scf.for %scan3A_36 = %scan3A_26 to %scan3A_28 step %scan3A_29  : i32 {
      %mul3A_37 = arith.constant 1 : i32
      %mul3A_38 = arith.muli %scan3A_36, %mul3A_37 : i32
      %add3A_39 = arith.constant 0 : i32
      %add3A_40 = arith.addi %add3A_39, %mul3A_38 : i32
      %mul3A_41 = arith.constant 128 : i32
      %mul3A_42 = arith.muli %add3A_40, %mul3A_41 : i32
      %add3A_43 = arith.addi %add3A_25, %mul3A_42 : i32
      "tpu.region"() ({
        %run_scoped3A = tpu.sem_alloc : memref<!tpu.dma_semaphore, #tpu.memory_space<semaphore_mem>>
        %dma_start3A_48 = tpu.memref_slice %arg5[%add3A_43] : memref<331776xi32, #tpu.memory_space<hbm>> -> memref<128xi32, #tpu.memory_space<hbm>>
        %dma_start3A_49 = tpu.memref_slice %arg5[%add3A_43] : memref<331776xi32, #tpu.memory_space<hbm>> -> memref<128xi32, #tpu.memory_space<hbm>>
        tpu.enqueue_dma source(%dma_start3A_49 : memref<128xi32, #tpu.memory_space<hbm>>) target(%arg9 : memref<128xi32, #tpu.memory_space<vmem>>) target_semaphore(%run_scoped3A : memref<!tpu.dma_semaphore, #tpu.memory_space<semaphore_mem>>)
        %dma_wait3A_50 = tpu.memref_slice %arg5[%add3A_43] : memref<331776xi32, #tpu.memory_space<hbm>> -> memref<128xi32, #tpu.memory_space<hbm>>
        %dma_wait3A_51 = tpu.memref_slice %arg5[%add3A_43] : memref<331776xi32, #tpu.memory_space<hbm>> -> memref<128xi32, #tpu.memory_space<hbm>>
        tpu.wait_dma2 semaphore(%run_scoped3A : memref<!tpu.dma_semaphore, #tpu.memory_space<semaphore_mem>>) src(%dma_wait3A_51 : memref<128xi32, #tpu.memory_space<hbm>>) dst(%arg9 : memref<128xi32, #tpu.memory_space<vmem>>)
        tpu.yield
      }) : () -> ()
      "tpu.region"() ({
        %run_scoped3A = tpu.sem_alloc : memref<!tpu.dma_semaphore, #tpu.memory_space<semaphore_mem>>
        %dma_start3A_48 = tpu.memref_slice %arg6[%add3A_43] : memref<331776xi32, #tpu.memory_space<hbm>> -> memref<128xi32, #tpu.memory_space<hbm>>
        %dma_start3A_49 = tpu.memref_slice %arg6[%add3A_43] : memref<331776xi32, #tpu.memory_space<hbm>> -> memref<128xi32, #tpu.memory_space<hbm>>
        tpu.enqueue_dma source(%dma_start3A_49 : memref<128xi32, #tpu.memory_space<hbm>>) target(%arg10 : memref<128xi32, #tpu.memory_space<vmem>>) target_semaphore(%run_scoped3A : memref<!tpu.dma_semaphore, #tpu.memory_space<semaphore_mem>>)
        %dma_wait3A_50 = tpu.memref_slice %arg6[%add3A_43] : memref<331776xi32, #tpu.memory_space<hbm>> -> memref<128xi32, #tpu.memory_space<hbm>>
        %dma_wait3A_51 = tpu.memref_slice %arg6[%add3A_43] : memref<331776xi32, #tpu.memory_space<hbm>> -> memref<128xi32, #tpu.memory_space<hbm>>
        tpu.wait_dma2 semaphore(%run_scoped3A : memref<!tpu.dma_semaphore, #tpu.memory_space<semaphore_mem>>) src(%dma_wait3A_51 : memref<128xi32, #tpu.memory_space<hbm>>) dst(%arg10 : memref<128xi32, #tpu.memory_space<vmem>>)
        tpu.yield
      }) : () -> ()
      %dma_start3A = arith.constant 0 : i32
      %dma_start3A_44 = arith.constant 0 : i32
      %dma_start3A_45 = tpu.memref_slice %arg4[%dma_start3A, %dma_start3A_44] : memref<90000x128xf32, #tpu.memory_space<hbm>> -> memref<90000x128xf32, #tpu.memory_space<hbm>>
      tpu.enqueue_indirect_dma source(%dma_start3A_45 : memref<90000x128xf32, #tpu.memory_space<hbm>>) target(%arg11 : memref<128x128xf32, #tpu.memory_space<vmem>>) offsets(%arg9 : memref<128xi32, #tpu.memory_space<vmem>>) semaphore(%arg13 : memref<!tpu.dma_semaphore, #tpu.memory_space<semaphore_mem>>)
      %dma_wait3A = arith.constant 0 : i32
      %dma_wait3A_46 = arith.constant 0 : i32
      %dma_wait3A_47 = tpu.memref_slice %arg4[%dma_wait3A, %dma_wait3A_46] : memref<90000x128xf32, #tpu.memory_space<hbm>> -> memref<90000x128xf32, #tpu.memory_space<hbm>>
      tpu.wait_indirect_dma semaphore(%arg13 : memref<!tpu.dma_semaphore, #tpu.memory_space<semaphore_mem>>) src(%dma_wait3A_47 : memref<90000x128xf32, #tpu.memory_space<hbm>>) dst(%arg11 : memref<128x128xf32, #tpu.memory_space<vmem>>)
      "tpu.region"() ({
        %run_scoped3A = tpu.sem_alloc : memref<!tpu.dma_semaphore, #tpu.memory_space<semaphore_mem>>
        %dma_start3A_48 = arith.constant 0 : i32
        %dma_start3A_49 = arith.constant 0 : i32
        %dma_start3A_50 = tpu.memref_slice %arg12[%dma_start3A_48, %dma_start3A_49] : memref<10112x128xf32, #tpu.memory_space<vmem_shared>> -> memref<10112x128xf32, #tpu.memory_space<vmem_shared>>
        tpu.enqueue_indirect_dma source(%arg11 : memref<128x128xf32, #tpu.memory_space<vmem>>) target(%dma_start3A_50 : memref<10112x128xf32, #tpu.memory_space<vmem_shared>>) offsets(%arg10 : memref<128xi32, #tpu.memory_space<vmem>>) semaphore(%run_scoped3A : memref<!tpu.dma_semaphore, #tpu.memory_space<semaphore_mem>>) {add = true}
        %dma_wait3A_51 = arith.constant 0 : i32
        %dma_wait3A_52 = arith.constant 0 : i32
        %dma_wait3A_53 = tpu.memref_slice %arg12[%dma_wait3A_51, %dma_wait3A_52] : memref<10112x128xf32, #tpu.memory_space<vmem_shared>> -> memref<10112x128xf32, #tpu.memory_space<vmem_shared>>
        tpu.wait_indirect_dma semaphore(%run_scoped3A : memref<!tpu.dma_semaphore, #tpu.memory_space<semaphore_mem>>) src(%arg11 : memref<128x128xf32, #tpu.memory_space<vmem>>) dst(%dma_wait3A_53 : memref<10112x128xf32, #tpu.memory_space<vmem_shared>>)
        tpu.yield
      }) : () -> ()
    }
    %scan3A_30 = arith.constant 27 : i32
    %barrier3A_31 = arith.constant 0 : index
    tpu.barrier barrier_id(%barrier3A_31)
    %mul3A_32 = arith.constant 632 : i32
    %mul3A_33 = arith.muli %arg1, %mul3A_32 : i32
    %mul3A_34 = arith.constant 632 : i32
    %mul3A_35 = arith.muli %arg1, %mul3A_34 : i32
    "tpu.region"() ({
      %run_scoped3A = tpu.sem_alloc : memref<!tpu.dma_semaphore, #tpu.memory_space<semaphore_mem>>
      %dma_start3A = arith.constant 0 : i32
      %dma_start3A_36 = arith.constant 0 : i32
      %dma_start3A_37 = tpu.memref_slice %arg8[%arg0, %dma_start3A, %dma_start3A_36] : memref<2x10112x128xf32, #tpu.memory_space<hbm>> -> memref<1x10112x128xf32, #tpu.memory_space<hbm>>
      %dma_start3A_38 = tpu.memref_squeeze %dma_start3A_37 : memref<1x10112x128xf32, #tpu.memory_space<hbm>> -> memref<10112x128xf32, #tpu.memory_space<hbm>>
      %dma_start3A_39 = arith.constant 0 : i32
      %dma_start3A_40 = tpu.memref_slice %dma_start3A_38[%mul3A_35, %dma_start3A_39] : memref<10112x128xf32, #tpu.memory_space<hbm>> -> memref<632x128xf32, #tpu.memory_space<hbm>>
      %dma_start3A_41 = arith.constant 0 : i32
      %dma_start3A_42 = tpu.memref_slice %arg12[%mul3A_33, %dma_start3A_41] : memref<10112x128xf32, #tpu.memory_space<vmem_shared>> -> memref<632x128xf32, #tpu.memory_space<vmem_shared>>
      tpu.enqueue_dma source(%dma_start3A_42 : memref<632x128xf32, #tpu.memory_space<vmem_shared>>) target(%dma_start3A_40 : memref<632x128xf32, #tpu.memory_space<hbm>>) target_semaphore(%run_scoped3A : memref<!tpu.dma_semaphore, #tpu.memory_space<semaphore_mem>>)
      %dma_wait3A = arith.constant 0 : i32
      %dma_wait3A_43 = arith.constant 0 : i32
      %dma_wait3A_44 = tpu.memref_slice %arg8[%arg0, %dma_wait3A, %dma_wait3A_43] : memref<2x10112x128xf32, #tpu.memory_space<hbm>> -> memref<1x10112x128xf32, #tpu.memory_space<hbm>>
      %dma_wait3A_45 = tpu.memref_squeeze %dma_wait3A_44 : memref<1x10112x128xf32, #tpu.memory_space<hbm>> -> memref<10112x128xf32, #tpu.memory_space<hbm>>
      %dma_wait3A_46 = arith.constant 0 : i32
      %dma_wait3A_47 = tpu.memref_slice %dma_wait3A_45[%mul3A_35, %dma_wait3A_46] : memref<10112x128xf32, #tpu.memory_space<hbm>> -> memref<632x128xf32, #tpu.memory_space<hbm>>
      %dma_wait3A_48 = arith.constant 0 : i32
      %dma_wait3A_49 = tpu.memref_slice %arg12[%mul3A_33, %dma_wait3A_48] : memref<10112x128xf32, #tpu.memory_space<vmem_shared>> -> memref<632x128xf32, #tpu.memory_space<vmem_shared>>
      tpu.wait_dma2 semaphore(%run_scoped3A : memref<!tpu.dma_semaphore, #tpu.memory_space<semaphore_mem>>) src(%dma_wait3A_49 : memref<632x128xf32, #tpu.memory_space<vmem_shared>>) dst(%dma_wait3A_47 : memref<632x128xf32, #tpu.memory_space<hbm>>)
      tpu.yield
    }) : () -> ()
    return
  }
}

module attributes {stable_mosaic.version = 14 : i64} {
  func.func @_mm_body(%arg0: i32, %arg1: memref<10000x128xf32, #tpu.memory_space<vmem>>, %arg2: memref<1x128x128xf32, #tpu.memory_space<vmem>>, %arg3: memref<1x10000x128xf32, #tpu.memory_space<vmem>>) attributes {dimension_semantics = [#tpu.dimension_semantics<arbitrary>], iteration_bounds = array<i64: 27>, scalar_prefetch = 0 : i64, scratch_operands = 0 : i64, tpu.core_type = #tpu.core_type<tc>, window_params = [{pipeline_mode = #tpu.pipeline_mode<synchronous>, transform_indices = @transform_0, window_bounds = array<i64: 10000, 128>}, {transform_indices = @transform_1, window_bounds = array<i64: 1, 128, 128>}, {transform_indices = @transform_2, window_bounds = array<i64: 1, 10000, 128>}]} {
    %get3A = arith.constant 0 : index
    %get3A_0 = arith.constant 0 : index
    %get3A_1 = vector.load %arg1[%get3A, %get3A_0] : memref<10000x128xf32, #tpu.memory_space<vmem>>, vector<10000x128xf32>
    %get3A_2 = arith.constant 0 : index
    %get3A_3 = arith.constant 0 : index
    %get3A_4 = arith.constant 0 : index
    %get3A_5 = vector.load %arg2[%get3A_2, %get3A_3, %get3A_4] : memref<1x128x128xf32, #tpu.memory_space<vmem>>, vector<1x128x128xf32>
    %get3A_6 = vector.shape_cast %get3A_5 : vector<1x128x128xf32> to vector<128x128xf32>
    %dot_general3A = arith.constant dense<0.000000e+00> : vector<10000x128xf32>
    %dot_general3A_7 = tpu.matmul %get3A_1, %get3A_6, %dot_general3A {dimension_numbers = #tpu.dot_dimension_numbers<[1], [0], [0], [1], [0, 0, 1, 1], [], []>, transpose_lhs_hint = false} : vector<10000x128xf32>, vector<128x128xf32>, vector<10000x128xf32> -> vector<10000x128xf32>
    %swap3A = arith.constant 0 : index
    %swap3A_8 = arith.constant 0 : index
    %swap3A_9 = arith.constant 0 : index
    %swap3A_10 = vector.load %arg3[%swap3A, %swap3A_8, %swap3A_9] : memref<1x10000x128xf32, #tpu.memory_space<vmem>>, vector<1x10000x128xf32>
    %swap3A_11 = vector.shape_cast %swap3A_10 : vector<1x10000x128xf32> to vector<10000x128xf32>
    %swap3A_12 = vector.shape_cast %dot_general3A_7 : vector<10000x128xf32> to vector<1x10000x128xf32>
    tpu.vector_store %arg3[%swap3A, %swap3A_8, %swap3A_9], %swap3A_12 {strides = array<i32>} : memref<1x10000x128xf32, #tpu.memory_space<vmem>>, vector<1x10000x128xf32>,
    return
  }
  func.func @transform_0(%arg0: i32) -> (i32, i32) {
    %c0_i32 = arith.constant 0 : i32
    %c0_i32_0 = arith.constant 0 : i32
    %c0_i32_1 = arith.constant 0 : i32
    return %c0_i32, %c0_i32_0 : i32, i32
  }
  func.func @transform_1(%arg0: i32) -> (i32, i32, i32) {
    %c0_i32 = arith.constant 0 : i32
    %c0_i32_0 = arith.constant 0 : i32
    %c0_i32_1 = arith.constant 0 : i32
    return %arg0, %c0_i32, %c0_i32_0 : i32, i32, i32
  }
  func.func @transform_2(%arg0: i32) -> (i32, i32, i32) {
    %c0_i32 = arith.constant 0 : i32
    %c0_i32_0 = arith.constant 0 : i32
    %c0_i32_1 = arith.constant 0 : i32
    return %arg0, %c0_i32, %c0_i32_0 : i32, i32, i32
  }
}

module attributes {stable_mosaic.version = 14 : i64} {
  func.func @_add_body(%arg0: i32, %arg1: memref<2x2000x128xf32, #tpu.memory_space<vmem>>, %arg2: memref<1x128xf32, #tpu.memory_space<vmem>>, %arg3: memref<2000x128xf32, #tpu.memory_space<vmem>>) attributes {dimension_semantics = [#tpu.dimension_semantics<arbitrary>], iteration_bounds = array<i64: 5>, scalar_prefetch = 0 : i64, scratch_operands = 0 : i64, tpu.core_type = #tpu.core_type<tc>, window_params = [{transform_indices = @transform_0, window_bounds = array<i64: 2, 2000, 128>}, {pipeline_mode = #tpu.pipeline_mode<synchronous>, transform_indices = @transform_1, window_bounds = array<i64: 1, 128>}, {transform_indices = @transform_2, window_bounds = array<i64: 2000, 128>}]} {
    %get3A = arith.constant 0 : index
    %get3A_0 = arith.constant 0 : index
    %get3A_1 = arith.constant 0 : index
    %get3A_2 = vector.load %arg1[%get3A, %get3A_0, %get3A_1] : memref<2x2000x128xf32, #tpu.memory_space<vmem>>, vector<1x2000x128xf32>
    %get3A_3 = vector.shape_cast %get3A_2 : vector<1x2000x128xf32> to vector<2000x128xf32>
    %get3A_4 = arith.constant 1 : index
    %get3A_5 = arith.constant 0 : index
    %get3A_6 = arith.constant 0 : index
    %get3A_7 = vector.load %arg1[%get3A_4, %get3A_5, %get3A_6] : memref<2x2000x128xf32, #tpu.memory_space<vmem>>, vector<1x2000x128xf32>
    %get3A_8 = vector.shape_cast %get3A_7 : vector<1x2000x128xf32> to vector<2000x128xf32>
    %add3A = arith.addf %get3A_3, %get3A_8 : vector<2000x128xf32>
    %get3A_9 = arith.constant 0 : index
    %get3A_10 = arith.constant 0 : index
    %get3A_11 = vector.load %arg2[%get3A_9, %get3A_10] : memref<1x128xf32, #tpu.memory_space<vmem>>, vector<1x128xf32>
    %add3A_12 = vector.broadcast %get3A_11 : vector<1x128xf32> to vector<2000x128xf32>
    %add3A_13 = arith.addf %add3A, %add3A_12 : vector<2000x128xf32>
    %swap3A = arith.constant 0 : index
    %swap3A_14 = arith.constant 0 : index
    %swap3A_15 = vector.load %arg3[%swap3A, %swap3A_14] : memref<2000x128xf32, #tpu.memory_space<vmem>>, vector<2000x128xf32>
    tpu.vector_store %arg3[%swap3A, %swap3A_14], %add3A_13 {strides = array<i32>} : memref<2000x128xf32, #tpu.memory_space<vmem>>, vector<2000x128xf32>,
    return
  }
  func.func @transform_0(%arg0: i32) -> (i32, i32, i32) {
    %c0_i32 = arith.constant 0 : i32
    %c0_i32_0 = arith.constant 0 : i32
    %c0_i32_1 = arith.constant 0 : i32
    return %c0_i32, %arg0, %c0_i32_0 : i32, i32, i32
  }
  func.func @transform_1(%arg0: i32) -> (i32, i32) {
    %c0_i32 = arith.constant 0 : i32
    %c0_i32_0 = arith.constant 0 : i32
    %c0_i32_1 = arith.constant 0 : i32
    return %c0_i32, %c0_i32_0 : i32, i32
  }
  func.func @transform_2(%arg0: i32) -> (i32, i32) {
    %c0_i32 = arith.constant 0 : i32
    %c0_i32_0 = arith.constant 0 : i32
    return %arg0, %c0_i32 : i32, i32
  }
}

</mosaic_0001>

<sc_bundles>
// kernel: kernel.6.cloned.1.call-start
scs
__scs_entry_jumppad:
0x0: {  	(pc) =	sbr.rel $0x88, $3  }
0x1: {  	(tag) =	ssettag $0x0;
	lr =	simm.s32 $0x1  }
0x2: {  	[smem:$0x3F9C] =	sst lr;
	_ =	strace $0xD0000000  }
0x3: {  	_ = 	snop  }
0x4: {  	_ = 	snop  }
0x5: {  	_ = 	snop  }
0x6: {  	_ = 	snop  }
0x7: {  	_ = 	snop  }
__scs_overlays_trampoline_lowered:
0x8: {  	[smem:$0x3FAB] =	sst s0  }
0x9: {  	[smem:$0x3FAC] =	sst s1  }
0xa: {  	[smem:$0x3FAD] =	sst s2  }
0xb: {  	[smem:$0x3FAE] =	sst s3  }
0xc: {  	[smem:$0x3FAF] =	sst s4  }
0xd: {  	[smem:$0x3FB0] =	sst s5  }
0xe: {  	[smem:$0x3FB1] =	sst s6  }
0xf: {  	[smem:$0x3FB2] =	sst s7  }
0x10: {  	[smem:$0x3FB3] =	sst s8  }
0x11: {  	[smem:$0x3FB4] =	sst s9;
	s0 =	simm.s32 @!p0 $0x0  }
0x12: {  	s1 =	sld [smem:$0x3F9A];
	s0 =	simm.s32 @p0 $0x1  }
0x13: {  	[smem:$0x3FB5] =	sst s0;
	s0 =	simm.s32 @!p1 $0x0  }
0x14: {  	s2 =	sld [smem:$0x3F99];
	s0 =	simm.s32 @p1 $0x1  }
0x15: {  	[smem:$0x3FB6] =	sst s0;
	s0 =	simm.s32 @!p2 $0x0  }
0x16: {  	s3 =	sld [smem:$0x3FDB];
	s0 =	simm.s32 @p2 $0x1  }
0x17: {  	s4 =	simm.s32 $0x1BF5;
	[smem:$0x3FB8] =	sst s0  }
0x18: {  	s0 =	sld [smem:$0x3F9B];
	_ =	swait.ge [sflag:s4], $0x0  }
0x19: {  	s7 =	sld [smem:$0x3F9C]  }
0x1a: {  	s8 =	sadd.s32 $0xFFFFE003, lr  }
0x1b: {  	s9 =	sadd.s32 $0xFFFFFEF7, lr;
	s5 =	simm.s32 $0xFFFFFFFF;
	p2 =	slt.u32 s8, $0xFFFFF086  }
0x1c: {  	p1 =	slt.u32 s9, $0xF7A;
	s5 =	simm.s32 @!p2 $0x0  }
0x1d: {  	s5 =	simm.s32 @p1 $0x1;
	p0 =	seq.s32 s7, s2  }
0x1e: {  	s7 =	smul.u32 @!p0 $0xF7A, s2;
	p2 =	seq.s32 @!p0 s5, $0x0  }
0x1f: {  	s9 =	smul.u32 $0xF7A, s1;
	s8 =	simm.s32 @!p0 $0x1BF5;
	p2 =	por !p2, p0  }
0x20: {  	[sflag:s8] =	ssyncset.s32 @!p0 $0xFFFFF086;
	s6 =	sadd.s32 @!p0 s3, s7;
	s7 =	simm.s32 @!p0 $0x108  }
0x21: {  	s3 =	sadd.s32 s3, s9;
	s6 =	sadd.s32 @!p0 $0x88, s6;
	s7 =	simm.s32 @p2 $0x1082  }
0x22: {  	[simem:s7], [sflag:s8] =	dma.local @!p0 [hbm:s6], $0xF7A  }
0x23: {  	s9 =	sor.u32 $0xD0000000, s2;
	s6 =	simm.s32 $0x108;
	_ =	swait.ge @!p0 [sflag:s8], $0x0  }
0x24: {  	s3 =	sadd.s32 $0x88, s3;
	s6 =	simm.s32 @!p1 $0x1082;
	[sflag:s4] =	ssyncset.s32 $0xFFFFF086  }
0x25: {  	[simem:s6], [sflag:s4] =	dma.local [hbm:s3], $0xF7A  }
0x26: {  	[smem:$0x3F9C] =	sst s1;
	(tag) =	ssettag s2;
	_ =	strace s9  }
0x27: {  	s1 =	sld [smem:$0x3FAC]  }
0x28: {  	s2 =	sld [smem:$0x3FAD]  }
0x29: {  	s4 =	sld [smem:$0x3FAF]  }
0x2a: {  	p0 =	seq.s32 s5, $0x0;
	s5 =	sld [smem:$0x3FB0]  }
0x2b: {  	s6 =	sld [smem:$0x3FB1]  }
0x2c: {  	s7 =	sld [smem:$0x3FB2]  }
0x2d: {  	s3 =	simm.s32 $0x108;
	s8 =	sld [smem:$0x3FB3]  }
0x2e: {  	s3 =	simm.s32 @!p0 $0x1082;
	s9 =	sld [smem:$0x3FB4]  }
0x2f: {  	lr =	sadd.s32 s0, s3;
	s0 =	sld [smem:$0x3FAB]  }
0x30: {  	s3 =	sld [smem:$0x3FAE]  }
0x31: {  	[smem:$0x3FB7] =	sst s10  }
0x32: {  	s10 =	sld [smem:$0x3FB5];
	_ =	sdelay $0x3  }
0x33: {  	p0 =	seq.s32 s10, $0x1;
	s10 =	sld [smem:$0x3FB7];
	_ =	sdelay $0x3  }
0x34: {  	[smem:$0x3FB7] =	sst s10  }
0x35: {  	s10 =	sld [smem:$0x3FB6];
	_ =	sdelay $0x3  }
0x36: {  	p1 =	seq.s32 s10, $0x1;
	s10 =	sld [smem:$0x3FB7];
	_ =	sdelay $0x3  }
0x37: {  	[smem:$0x3FB7] =	sst s10  }
0x38: {  	s10 =	sld [smem:$0x3FB8]  }
0x39: {  	_ = 	snop;
	(pc) =	sbr.ind lr, $3  }
0x3a: {  	_ = 	snop  }
0x3b: {  	_ = 	snop  }
0x3c: {  	p2 =	seq.s32 s10, $0x1;
	s10 =	sld [smem:$0x3FB7]  }
0x3d: {  	_ =	shalt  }
0x3e: {  	_ =	shalt  }
0x3f: {  	_ =	shalt  }
0x40: {  	_ =	shalt  }
0x41: {  	_ =	shalt  }
0x42: {  	_ =	shalt  }
0x43: {  	_ =	shalt  }
0x44: {  	_ =	shalt  }
0x45: {  	_ =	shalt  }
0x46: {  	_ =	shalt  }
0x47: {  	_ =	shalt  }
0x48: {  	_ =	shalt  }
0x49: {  	_ =	shalt  }
0x4a: {  	_ =	shalt  }
0x4b: {  	_ =	shalt  }
0x4c: {  	_ =	shalt  }
0x4d: {  	_ =	shalt  }
0x4e: {  	_ =	shalt  }
0x4f: {  	_ =	shalt  }
0x50: {  	_ =	shalt  }
0x51: {  	_ =	shalt  }
0x52: {  	_ =	shalt  }
0x53: {  	_ =	shalt  }
0x54: {  	_ =	shalt  }
0x55: {  	_ =	shalt  }
0x56: {  	_ =	shalt  }
0x57: {  	_ =	shalt  }
0x58: {  	_ =	shalt  }
0x59: {  	_ =	shalt  }
0x5a: {  	_ =	shalt  }
0x5b: {  	_ =	shalt  }
0x5c: {  	_ =	shalt  }
0x5d: {  	_ =	shalt  }
0x5e: {  	_ =	shalt  }
0x5f: {  	_ =	shalt  }
0x60: {  	_ =	shalt  }
0x61: {  	_ =	shalt  }
0x62: {  	_ =	shalt  }
0x63: {  	_ =	shalt  }
0x64: {  	_ =	shalt  }
0x65: {  	_ =	shalt  }
0x66: {  	_ =	shalt  }
0x67: {  	_ =	shalt  }
0x68: {  	_ =	shalt  }
0x69: {  	_ =	shalt  }
0x6a: {  	_ =	shalt  }
0x6b: {  	_ =	shalt  }
0x6c: {  	_ =	shalt  }
0x6d: {  	_ =	shalt  }
0x6e: {  	_ =	shalt  }
0x6f: {  	_ =	shalt  }
0x70: {  	_ =	shalt  }
0x71: {  	_ =	shalt  }
0x72: {  	_ =	shalt  }
0x73: {  	_ =	shalt  }
0x74: {  	_ =	shalt  }
0x75: {  	_ =	shalt  }
0x76: {  	_ =	shalt  }
0x77: {  	_ =	shalt  }
0x78: {  	_ =	shalt  }
0x79: {  	_ =	shalt  }
0x7a: {  	_ =	shalt  }
0x7b: {  	_ =	shalt  }
0x7c: {  	_ =	shalt  }
0x7d: {  	_ =	shalt  }
0x7e: {  	_ =	shalt  }
0x7f: {  	_ =	shalt  }
0x80: {  	_ =	shalt  }
0x81: {  	_ =	shalt  }
0x82: {  	_ =	shalt  }
0x83: {  	_ =	shalt  }
0x84: {  	_ =	shalt  }
0x85: {  	_ =	shalt  }
0x86: {  	_ =	shalt  }
0x87: {  	_ =	shalt  }
.Lfunc_end0:
.L_simem_size_0:
called_computation_lowered:
.L_overlay_start_0:
0x88: {  	s2 =	sld [smem:$0x3FD9]  }
0x89: {  	s3 =	sld [smem:$0x3FFE];
	_ =	sdelay $0x1  }
0x8a: {  	s1 =	srdreg.scid  }
0x8b: {  	s0 =	sand.u32 $0x1, s1  }
0x8c: {  	s17 =	sshll.u32 s0, $0xA;
	s2 =	sadd.s32 s3, s2  }
0x8d: {  	s2 =	sadd.s32 s2, s17  }
0x8e: {  	[smem:$0x3FC3] =	sst s2  }
0x8f: {  	_ = 	snop  }
0x90: {  	s2 =	sld [smem:$0x3FD0];
	(tm) =	ssettm $0x1  }
0x91: {  	s18 =	sld [smem:$0x3FFB];
	_ =	sdelay $0x3  }
0x92: {  	_ =	strace s18  }
0x93: {  	s3 =	sld [smem:$0x3FFC];
	_ =	sdelay $0x3  }
0x94: {  	_ =	strace s3  }
0x95: {  	s3 =	sld [smem:$0x3FFD];
	_ =	sdelay $0x3  }
0x96: {  	_ =	strace s3  }
0x97: {  	_ =	strace $0x8FFFFFFF  }
0x98: {  	s19 =	sld [smem:$0x3FDB];
	_ =	sdelay $0x1  }
0x99: {  	s4 =	simm.s32 $_scs_section_size  }
0x9a: {  	s5 =	simm.s32 $_size__tile_overlayer_lowered;
	s6 =	simm.s32 $_tile_overlayer_lowered  }
0x9b: {  	s22 =	simm.s32 $0x1BFF;
	s21 =	sshll.u32 s6, $0x1;
	s3 =	sadd.s32 s4, s19  }
0x9c: {  	s7 =	simm.s32 $0x0;
	s20 =	sshll.u32 s5, $0x1;
	s5 =	sadd.s32 s21, s3  }
0x9d: {  	[timem:s7], [sflag:s22] =	dma.local [hbm:s5], s20  }
0x9e: {  	_ =	swait.ge [sflag:s22], s20  }
0x9f: {  	s4 =	ssub.s32 $0x0, s20;
	[sflag:s22] =	ssyncset.done $0x0  }
0xa0: {  	[sflag:s22] =	ssyncadd.s32 s4;
	_ =	sdelay $0x1  }
0xa1: {  	s23 =	simm.s32 $0x1B8B  }
0xa2: {  	_ =	swait.ge [sflag:s23], $0x1  }
0xa3: {  	[sflag:s23] =	ssyncset.done $0x0  }
0xa4: {  	s25 =	simm.s32 $0x1B8E;
	s24 =	sld [smem:$0x3FFE];
	[sflag:s23] =	ssyncadd.s32 $0xFFFFFFFF  }
0xa5: {  	s26 =	simm.s32 $execute0_lowered;
	[smem:$0x3FD2] =	sst s25  }
0xa6: {  	s5 =	sshll.u32 s26, $0x1;
	_ =	strace $0x80000046;
	[dreg:$0x1] =	wrdreg $0xFFFFFFFF  }
0xa7: {  	s28 =	simm.s32 $_size_execute0_lowered;
	s3 =	sadd.s32 s3, s5;
	[dreg:$0x0] =	wrdreg $0x0  }
0xa8: {  	s5 =	sshll.u32 s28, $0x1;
	[dreg:$0x2] =	wrdreg s3  }
0xa9: {  	[dreg:$0x3] =	wrdreg s5  }
0xaa: {  	[dreg:$0x4] =	wrdreg $0xC0  }
0xab: {  	_ =	task [dreg:s7], $0x5FFFF  }
0xac: {  	[dreg:$0x1] =	wrdreg $0xFFFFFFFF  }
0xad: {  	[dreg:$0x0] =	wrdreg $0x60  }
0xae: {  	[dreg:$0x2] =	wrdreg s24  }
0xaf: {  	[dreg:$0x3] =	wrdreg s2  }
0xb0: {  	[dreg:$0x4] =	wrdreg $0x41000  }
0xb1: {  	[dreg:$0x5] =	wrdreg $0x9  }
0xb2: {  	_ =	task.clear_ibuf [dreg:s7], $0x6FFFF;
	_ =	strace $0x90000046  }
0xb3: {  	s29 =	simm.s32 $0x9;
	_ =	strace $0x80000048  }
0xb4: {  	_ =	swait.ge [sflag:s29], $0x1  }
0xb5: {  	[sflag:s29] =	ssyncadd.s32 $0xFFFFFFFF  }
0xb6: {  	_ =	strace $0x90000048  }
0xb7: {  	_ =	sfence  }
0xb8: {  	s30 =	sld [smem:$0x0];
	_ =	sdelay $0x2  }
0xb9: {  	s31 =	sshll.u32 s1, $0xD;
	s1 =	sshrl.u32 s1, $0x2  }
0xba: {  	s3 =	sand.u32 $0x4000, s31;
	s1 =	sadd.s32 s1, s30  }
0xbb: {  	s0 =	sor.u32 s3, s0;
	s1 =	sshll.u32 s1, $0x11  }
0xbc: {  	s0 =	sor.u32 s1, s0  }
0xbd: {  	s0 =	sadd.s32 $0x8F2B, s0  }
0xbe: {  	[sflag:s0] =	ssyncadd.remote.s32 $0x1  }
0xbf: {  	_ =	sfence.sel $0xFFFF  }
0xc0: {  	[dreg:$0x0] =	wrdreg $0xFFFFFFFF;
	(pc) =	sbr.abs _section_cstart, $3  }
0xc1: {  	[dreg:$0x1] =	wrdreg $0xFFFFFFFF  }
0xc2: {  	_ =	task.clear_ibuf [dreg:s7], $0x2FFFF;
	_ =	strace $0x9FFFFFFF  }
0xc3: {  	(tm) =	ssettm $0x7FFFFFFF  }
tec
execute0_lowered:
.L_overlay_start_1:
0x0: {  	(tag) =	ssettag $0x1  }
0x1: {  	s7 =	rddreg [dreg:$0x0]  }
0x2: {  	s15 =	rddreg [dreg:$0x1]  }
0x3: {  	s1 =	rddreg [dreg:$0x2]  }
0x4: {  	s0 =	rddreg [dreg:$0x3];
	s3 =	simm.s32 $0x0  }
0x5: {  	s2 =	stileid.u32;
	s5 =	srdreg.scid;
	s19 =	simm.s32 $0x100  }
0x6: {  	s20 =	simm.s32 $0x1;
	s4 =	sadd.s32 $0x6DF200, s7;
	s21 =	smul.u32 $0x2780, s2  }
0x7: {  	s8 =	sand.u32 $0x1, s5;
	s5 =	sadd.s32 $0x57F800, s7;
	s10 =	smul.u32 $0x4F000, s2  }
0x8: {  	[smem:$0x7FF] =	sst s3;
	s6 =	sadd.s32 $0x41FE00, s7;
	s16 =	smul.u32 $0xD80, s2  }
0x9: {  	s14 =	sadd.s32 $0x1200, s7;
	s25 =	sshll.u32 s2, $0x6;
	s9 =	smul.u32 $0x27800, s8  }
0xa: {  	_ =	strace $0x80000047;
	s12 =	ssub.s32 $0x2, s8;
	s8 =	smul.u32 $0xD800, s8  }
0xb: {  	s11 =	sadd.s32 s21, s7;
	s13 =	sshrl.u32 s12, $0x1;
	s10 =	sshrl.u32 s10, $0x2  }
0xc: {  	s9 =	sadd.s32 s9, s7;
	s12 =	ssub.s32 s12, s13;
	s17 =	sadd.s32 s10, s1  }
0xd: {  	s7 =	sadd.s32 $0xB400, s11;
	s26 =	sadd.s32 s16, s8;
	s8 =	sor.u32 $0x1C02, s25  }
0xe: {  	s22 =	sadd.s32 $0x32C00, s9;
	s28 =	sshrl.u32 s26, $0x3;
	s9 =	smax.u32 s12, $0x1  }
0xf: {  	s29 =	sadd.s32 $0x1B000, s26;
	s18 =	sadd.s32 $0x36000, s26;
	s16 =	sshrl.u32 s17, $0x3  }
0x10: {  	s17 =	simm.s32 $0x2;
	s10 =	sadd.s32 s28, s14;
	s11 =	sadd.s32 s28, s15  }
0x11: {  	s30 =	sshrl.u32 s29, $0x3;
	s31 =	sshrl.u32 s18, $0x3;
	s18 =	simm.s32 $0x80  }
0x12: {  	s21 =	sadd.s32 s21, s22;
	s22 =	simm.s32 $0x0;
	s12 =	sadd.s32 s30, s14  }
0x13: {  	s13 =	sadd.s32 s30, s15;
	s14 =	sadd.s32 s31, s14;
	s15 =	sadd.s32 s31, s15  }
.LBB2_1:
0x14: {  	[spmem:s16], [sflag:s8] =	dma.local [hbm:s7], $0x2780  }
0x15: {  	_ =	swait.ge [sflag:s17], $0x2780  }
0x16: {  	[sflag:s17] =	ssyncset.done $0x0  }
0x17: {  	[sflag:s17] =	ssyncadd.s32 $0xFFFFD880  }
0x18: {  	s23 =	sadd.s32 $0x0, s11;
	[bflag:$0x0] =	sbarrier.arrive $0xFFFF  }
0x19: {  	[tilespmem:s3], [sflag:$0x2] =	stream.linear.gather [hbm4b:s23+s3], $0x80, $0x38;
	[tilespmem:$0x17D00] =	vst v63  }
0x1a: {  	_ =	swait.ge [sflag:s17], $0x80  }
0x1b: {  	[sflag:s17] =	ssyncset.done $0x0  }
0x1c: {  	s31 =	sadd.s32 $0x0, s10;
	[sflag:s17] =	ssyncadd.s32 $0xFFFFFF80  }
0x1d: {  	[tilespmem:s18], [sflag:$0x2] =	stream.linear.gather [hbm4b:s31+s3], $0x80, $0x38;
	[tilespmem:$0x17D00] =	vst v63  }
0x1e: {  	_ =	swait.ge [sflag:s17], $0x80  }
0x1f: {  	[sflag:s17] =	ssyncset.done $0x0  }
0x20: {  	[sflag:s17] =	ssyncadd.s32 $0xFFFFFF80  }
0x21: {  	[tilespmem:s19], [sflag:$0x1] =	stream.indirect.gather [hbm4b:s4+s18], $0x80, s3, s18, $0xb8;
	[tilespmem:$0x17D00] =	vst v63  }
0x22: {  	_ =	swait.ge [sflag:s20], $0x4000  }
0x23: {  	[sflag:s20] =	ssyncset.done $0x0  }
0x24: {  	[sflag:s20] =	ssyncadd.s32 $0xFFFFC000  }
0x25: {  	[spmem:s1] =	stream.indirect.scatter.add.f32 [tilespmem:s19], [sflag:$0x2], $0x80, s18, s18, $0xb8;
	[tilespmem:$0x17D00] =	vst v63  }
0x26: {  	s24 =	simm.s32 $0x10;
	_ =	swait.ge [sflag:s17], $0x4000  }
0x27: {  	s26 =	sadd.s32 $0x10, s11;
	s25 =	simm.s32 $0x20;
	[sflag:s17] =	ssyncset.done $0x0  }
.LBB2_2:
0x28: {  	s28 =	sadd.s32 s25, s11  }
0x29: {  	s23 =	simm.s32 $0x0;
	[sflag:s17] =	ssyncadd.s32 $0xFFFFC000;
	s29 =	smov.u32 s25  }
0x2a: {  	[tilespmem:s23], [sflag:$0x2] =	stream.linear.gather [hbm4b:s26+s23], $0x80, $0x38;
	[tilespmem:$0x17D00] =	vst v63  }
0x2b: {  	p0 =	sne.s32 s25, $0x1A0;
	s25 =	sadd.s32 $0x10, s25;
	_ =	swait.ge [sflag:s17], $0x80  }
0x2c: {  	s26 =	smov.u32 s28;
	[sflag:s17] =	ssyncset.done $0x0  }
0x2d: {  	s28 =	sadd.s32 s24, s10;
	s24 =	smov.u32 s29;
	[sflag:s17] =	ssyncadd.s32 $0xFFFFFF80  }
0x2e: {  	[tilespmem:s18], [sflag:$0x2] =	stream.linear.gather [hbm4b:s28+s23], $0x80, $0x38;
	[tilespmem:$0x17D00] =	vst v63  }
0x2f: {  	_ =	swait.ge [sflag:s17], $0x80  }
0x30: {  	[sflag:s17] =	ssyncset.done $0x0  }
0x31: {  	[sflag:s17] =	ssyncadd.s32 $0xFFFFFF80  }
0x32: {  	[tilespmem:s19], [sflag:$0x1] =	stream.indirect.gather [hbm4b:s4+s18], $0x80, s23, s18, $0xb8;
	[tilespmem:$0x17D00] =	vst v63  }
0x33: {  	_ =	swait.ge [sflag:s20], $0x4000  }
.Ltmp0:
0x34: {  	[sflag:s20] =	ssyncset.done $0x0;
	(pc) =	sbr.rel @p0 .LBB2_2-.Ltmp0, $4  }
0x35: {  	[sflag:s20] =	ssyncadd.s32 $0xFFFFC000  }
0x36: {  	[spmem:s1] =	stream.indirect.scatter.add.f32 [tilespmem:s19], [sflag:$0x2], $0x80, s18, s18, $0xb8;
	[tilespmem:$0x17D00] =	vst v63  }
0x37: {  	_ =	swait.ge [sflag:s17], $0x4000  }
0x38: {  	[sflag:s17] =	ssyncset.done $0x0  }
0x39: {  	[sflag:s17] =	ssyncadd.s32 $0xFFFFC000  }
0x3a: {  	[tilespmem:s23], [sflag:$0x2] =	stream.linear.gather [hbm4b:s26+s23], $0x80, $0x38;
	[tilespmem:$0x17D00] =	vst v63  }
0x3b: {  	_ =	swait.ge [sflag:s17], $0x80  }
0x3c: {  	[sflag:s17] =	ssyncset.done $0x0  }
0x3d: {  	s24 =	sadd.s32 s24, s10;
	[sflag:s17] =	ssyncadd.s32 $0xFFFFFF80  }
0x3e: {  	[tilespmem:s18], [sflag:$0x2] =	stream.linear.gather [hbm4b:s24+s23], $0x80, $0x38;
	[tilespmem:$0x17D00] =	vst v63  }
0x3f: {  	_ =	swait.ge [sflag:s17], $0x80  }
0x40: {  	[sflag:s17] =	ssyncset.done $0x0  }
0x41: {  	[sflag:s17] =	ssyncadd.s32 $0xFFFFFF80  }
0x42: {  	[tilespmem:s19], [sflag:$0x1] =	stream.indirect.gather [hbm4b:s4+s18], $0x80, s23, s18, $0xb8;
	[tilespmem:$0x17D00] =	vst v63  }
0x43: {  	_ =	swait.ge [sflag:s20], $0x4000  }
0x44: {  	p1 =	por $0x1, $0x1;
	[sflag:s20] =	ssyncset.done $0x0  }
.Ltmp1:
0x45: {  	[sflag:s20] =	ssyncadd.s32 $0xFFFFC000;
	(pc) =	sbr.rel @!p1 .LBB2_7-.Ltmp1, $4  }
0x46: {  	[spmem:s1] =	stream.indirect.scatter.add.f32 [tilespmem:s19], [sflag:$0x2], $0x80, s18, s18, $0xb8;
	[tilespmem:$0x17D00] =	vst v63  }
0x47: {  	_ =	swait.ge [sflag:s17], $0x4000  }
0x48: {  	p0 =	por $0x0, $0x0;
	s25 =	simm.s32 $0x0;
	[sflag:s17] =	ssyncset.done $0x0  }
0x49: {  	p2 =	por $0x0, $0x0;
	s24 =	simm.s32 $0x10;
	[sflag:s17] =	ssyncadd.s32 $0xFFFFC000  }
0x4a: {  	s25 =	sadd.s32 $0x0, s13  }
0x4b: {  	[tilespmem:s23], [sflag:$0x2] =	stream.linear.gather [hbm4b:s25+s23], $0x80, $0x38;
	[tilespmem:$0x17D00] =	vst v63  }
0x4c: {  	_ =	swait.ge [sflag:s17], $0x80  }
0x4d: {  	[sflag:s17] =	ssyncset.done $0x0  }
0x4e: {  	s31 =	sadd.s32 $0x0, s12;
	[sflag:s17] =	ssyncadd.s32 $0xFFFFFF80  }
0x4f: {  	[tilespmem:s18], [sflag:$0x2] =	stream.linear.gather [hbm4b:s31+s23], $0x80, $0x38;
	[tilespmem:$0x17D00] =	vst v63  }
0x50: {  	_ =	swait.ge [sflag:s17], $0x80  }
0x51: {  	[sflag:s17] =	ssyncset.done $0x0  }
0x52: {  	[sflag:s17] =	ssyncadd.s32 $0xFFFFFF80  }
0x53: {  	[tilespmem:s19], [sflag:$0x1] =	stream.indirect.gather [hbm4b:s5+s18], $0x80, s23, s18, $0xb8;
	[tilespmem:$0x17D00] =	vst v63  }
0x54: {  	p3 =	por $0x1, $0x1;
	_ =	swait.ge [sflag:s20], $0x4000  }
.Ltmp2:
0x55: {  	[sflag:s20] =	ssyncset.done $0x0;
	(pc) =	sbr.rel @!p3 .LBB2_5-.Ltmp2, $4  }
0x56: {  	[sflag:s20] =	ssyncadd.s32 $0xFFFFC000  }
0x57: {  	[spmem:s1] =	stream.indirect.scatter.add.f32 [tilespmem:s19], [sflag:$0x2], $0x80, s18, s18, $0xb8;
	[tilespmem:$0x17D00] =	vst v63  }
0x58: {  	s26 =	simm.s32 $0x20;
	_ =	swait.ge [sflag:s17], $0x4000  }
0x59: {  	p2 =	por $0x1, $0x1;
	s25 =	simm.s32 $0x10;
	[sflag:s17] =	ssyncset.done $0x0  }
.LBB2_6:
0x5a: {  	s28 =	sadd.s32 s25, s13  }
0x5b: {  	[sflag:s17] =	ssyncadd.s32 $0xFFFFC000;
	s29 =	smov.u32 s26;
	s30 =	sadd.s32 $0x10, s26  }
0x5c: {  	[tilespmem:s23], [sflag:$0x2] =	stream.linear.gather [hbm4b:s28+s23], $0x80, $0x38;
	[tilespmem:$0x17D00] =	vst v63  }
0x5d: {  	p3 =	sne.s32 s26, $0x1A0;
	_ =	swait.ge [sflag:s17], $0x80  }
0x5e: {  	[sflag:s17] =	ssyncset.done $0x0  }
0x5f: {  	s26 =	sadd.s32 s25, s12;
	s25 =	smov.u32 s29;
	[sflag:s17] =	ssyncadd.s32 $0xFFFFFF80  }
0x60: {  	[tilespmem:s18], [sflag:$0x2] =	stream.linear.gather [hbm4b:s26+s23], $0x80, $0x38;
	[tilespmem:$0x17D00] =	vst v63  }
0x61: {  	_ =	swait.ge [sflag:s17], $0x80  }
0x62: {  	[sflag:s17] =	ssyncset.done $0x0  }
0x63: {  	[sflag:s17] =	ssyncadd.s32 $0xFFFFFF80  }
0x64: {  	[tilespmem:s19], [sflag:$0x1] =	stream.indirect.gather [hbm4b:s5+s18], $0x80, s23, s18, $0xb8;
	[tilespmem:$0x17D00] =	vst v63  }
0x65: {  	_ =	swait.ge [sflag:s20], $0x4000  }
.Ltmp3:
0x66: {  	[sflag:s20] =	ssyncset.done $0x0;
	(pc) =	sbr.rel @p3 .LBB2_6-.Ltmp3, $4  }
0x67: {  	[sflag:s20] =	ssyncadd.s32 $0xFFFFC000  }
0x68: {  	[spmem:s1] =	stream.indirect.scatter.add.f32 [tilespmem:s19], [sflag:$0x2], $0x80, s18, s18, $0xb8;
	[tilespmem:$0x17D00] =	vst v63  }
0x69: {  	_ =	swait.ge [sflag:s17], $0x4000  }
0x6a: {  	s26 =	smov.u32 s30;
	[sflag:s17] =	ssyncset.done $0x0  }
.LBB2_7:
0x6b: {  	s26 =	sadd.s32 s25, s13;
	[sflag:s17] =	ssyncadd.s32 @p2 $0xFFFFC000  }
0x6c: {  	[tilespmem:s23], [sflag:$0x2] =	stream.linear.gather [hbm4b:s26+s23], $0x80, $0x38;
	[tilespmem:$0x17D00] =	vst v63  }
0x6d: {  	_ =	swait.ge [sflag:s17], $0x80  }
0x6e: {  	[sflag:s17] =	ssyncset.done $0x0  }
0x6f: {  	s31 =	sadd.s32 s25, s12;
	[sflag:s17] =	ssyncadd.s32 $0xFFFFFF80  }
0x70: {  	[tilespmem:s18], [sflag:$0x2] =	stream.linear.gather [hbm4b:s31+s23], $0x80, $0x38;
	[tilespmem:$0x17D00] =	vst v63  }
0x71: {  	_ =	swait.ge [sflag:s17], $0x80  }
0x72: {  	[sflag:s17] =	ssyncset.done $0x0  }
0x73: {  	[sflag:s17] =	ssyncadd.s32 $0xFFFFFF80  }
0x74: {  	[tilespmem:s19], [sflag:$0x1] =	stream.indirect.gather [hbm4b:s5+s18], $0x80, s23, s18, $0xb8;
	[tilespmem:$0x17D00] =	vst v63  }
0x75: {  	_ =	swait.ge [sflag:s20], $0x4000  }
0x76: {  	[sflag:s20] =	ssyncset.done $0x0  }
.Ltmp4:
0x77: {  	[sflag:s20] =	ssyncadd.s32 $0xFFFFC000;
	(pc) =	sbr.rel @!p1 .LBB2_12-.Ltmp4, $4  }
0x78: {  	[spmem:s1] =	stream.indirect.scatter.add.f32 [tilespmem:s19], [sflag:$0x2], $0x80, s18, s18, $0xb8;
	[tilespmem:$0x17D00] =	vst v63  }
0x79: {  	_ =	swait.ge [sflag:s17], $0x4000  }
0x7a: {  	[sflag:s17] =	ssyncset.done $0x0  }
0x7b: {  	[sflag:s17] =	ssyncadd.s32 $0xFFFFC000  }
0x7c: {  	s23 =	sadd.s32 $0x0, s15  }
0x7d: {  	[tilespmem:s3], [sflag:$0x2] =	stream.linear.gather [hbm4b:s23+s3], $0x80, $0x38;
	[tilespmem:$0x17D00] =	vst v63  }
0x7e: {  	_ =	swait.ge [sflag:s17], $0x80  }
0x7f: {  	[sflag:s17] =	ssyncset.done $0x0  }
0x80: {  	s31 =	sadd.s32 $0x0, s14;
	[sflag:s17] =	ssyncadd.s32 $0xFFFFFF80  }
0x81: {  	[tilespmem:s18], [sflag:$0x2] =	stream.linear.gather [hbm4b:s31+s3], $0x80, $0x38;
	[tilespmem:$0x17D00] =	vst v63  }
0x82: {  	_ =	swait.ge [sflag:s17], $0x80  }
0x83: {  	[sflag:s17] =	ssyncset.done $0x0  }
0x84: {  	[sflag:s17] =	ssyncadd.s32 $0xFFFFFF80  }
0x85: {  	[tilespmem:s19], [sflag:$0x1] =	stream.indirect.gather [hbm4b:s6+s18], $0x80, s3, s18, $0xb8;
	[tilespmem:$0x17D00] =	vst v63  }
0x86: {  	p1 =	por $0x1, $0x1;
	_ =	swait.ge [sflag:s20], $0x4000  }
.Ltmp5:
0x87: {  	[sflag:s20] =	ssyncset.done $0x0;
	(pc) =	sbr.rel @!p1 .LBB2_9-.Ltmp5, $4  }
0x88: {  	[sflag:s20] =	ssyncadd.s32 $0xFFFFC000  }
0x89: {  	[spmem:s1] =	stream.indirect.scatter.add.f32 [tilespmem:s19], [sflag:$0x2], $0x80, s18, s18, $0xb8;
	[tilespmem:$0x17D00] =	vst v63  }
0x8a: {  	_ =	swait.ge [sflag:s17], $0x4000  }
0x8b: {  	p0 =	por $0x1, $0x1;
	s23 =	simm.s32 $0x20;
	[sflag:s17] =	ssyncset.done $0x0  }
.LBB2_10:
0x8c: {  	s25 =	sadd.s32 s24, s15  }
0x8d: {  	[sflag:s17] =	ssyncadd.s32 $0xFFFFC000;
	s26 =	smov.u32 s23;
	s28 =	sadd.s32 $0x10, s23  }
0x8e: {  	[tilespmem:s3], [sflag:$0x2] =	stream.linear.gather [hbm4b:s25+s3], $0x80, $0x38;
	[tilespmem:$0x17D00] =	vst v63  }
0x8f: {  	p1 =	sne.s32 s23, $0x1A0;
	_ =	swait.ge [sflag:s17], $0x80  }
0x90: {  	[sflag:s17] =	ssyncset.done $0x0  }
0x91: {  	s23 =	sadd.s32 s24, s14;
	s24 =	smov.u32 s26;
	[sflag:s17] =	ssyncadd.s32 $0xFFFFFF80  }
0x92: {  	[tilespmem:s18], [sflag:$0x2] =	stream.linear.gather [hbm4b:s23+s3], $0x80, $0x38;
	[tilespmem:$0x17D00] =	vst v63  }
0x93: {  	_ =	swait.ge [sflag:s17], $0x80  }
0x94: {  	[sflag:s17] =	ssyncset.done $0x0  }
0x95: {  	[sflag:s17] =	ssyncadd.s32 $0xFFFFFF80  }
0x96: {  	[tilespmem:s19], [sflag:$0x1] =	stream.indirect.gather [hbm4b:s6+s18], $0x80, s3, s18, $0xb8;
	[tilespmem:$0x17D00] =	vst v63  }
0x97: {  	_ =	swait.ge [sflag:s20], $0x4000  }
.Ltmp6:
0x98: {  	[sflag:s20] =	ssyncset.done $0x0;
	(pc) =	sbr.rel @p1 .LBB2_10-.Ltmp6, $4  }
0x99: {  	[sflag:s20] =	ssyncadd.s32 $0xFFFFC000  }
0x9a: {  	[spmem:s1] =	stream.indirect.scatter.add.f32 [tilespmem:s19], [sflag:$0x2], $0x80, s18, s18, $0xb8;
	[tilespmem:$0x17D00] =	vst v63  }
0x9b: {  	_ =	swait.ge [sflag:s17], $0x4000  }
0x9c: {  	s23 =	smov.u32 s28;
	[sflag:s17] =	ssyncset.done $0x0  }
0x9d: {  	s23 =	smov.u32 s24  }
.LBB2_12:
0x9e: {  	s24 =	sadd.s32 s23, s15;
	[sflag:s17] =	ssyncadd.s32 @p0 $0xFFFFC000  }
0x9f: {  	[tilespmem:s3], [sflag:$0x2] =	stream.linear.gather [hbm4b:s24+s3], $0x80, $0x38;
	[tilespmem:$0x17D00] =	vst v63  }
0xa0: {  	_ =	swait.ge [sflag:s17], $0x80  }
0xa1: {  	[sflag:s17] =	ssyncset.done $0x0  }
0xa2: {  	s31 =	sadd.s32 s23, s14;
	[sflag:s17] =	ssyncadd.s32 $0xFFFFFF80  }
0xa3: {  	[tilespmem:s18], [sflag:$0x2] =	stream.linear.gather [hbm4b:s31+s3], $0x80, $0x38;
	[tilespmem:$0x17D00] =	vst v63  }
0xa4: {  	_ =	swait.ge [sflag:s17], $0x80  }
0xa5: {  	[sflag:s17] =	ssyncset.done $0x0  }
0xa6: {  	[sflag:s17] =	ssyncadd.s32 $0xFFFFFF80  }
0xa7: {  	[tilespmem:s19], [sflag:$0x1] =	stream.indirect.gather [hbm4b:s6+s18], $0x80, s3, s18, $0xb8;
	[tilespmem:$0x17D00] =	vst v63  }
0xa8: {  	_ =	swait.ge [sflag:s20], $0x4000  }
0xa9: {  	[sflag:s20] =	ssyncset.done $0x0  }
0xaa: {  	[sflag:s20] =	ssyncadd.s32 $0xFFFFC000  }
0xab: {  	[spmem:s1] =	stream.indirect.scatter.add.f32 [tilespmem:s19], [sflag:$0x2], $0x80, s18, s18, $0xb8;
	[tilespmem:$0x17D00] =	vst v63  }
0xac: {  	_ =	swait.ge [sflag:s17], $0x4000  }
0xad: {  	[sflag:s17] =	ssyncset.done $0x0  }
0xae: {  	s22 =	sadd.s32 $0x1, s22;
	[sflag:s17] =	ssyncadd.s32 $0xFFFFC000  }
0xaf: {  	p0 =	sne.s32 s22, s9;
	[bflag:$0x0] =	sbarrier.arrive $0xFFFF  }
0xb0: {  	[hbm:s21], [sflag:s8] =	dma.local [spmem:s16], $0x2780  }
.Ltmp7:
0xb1: {  	_ = 	snop;
	(pc) =	sbr.rel @p0 .LBB2_1-.Ltmp7, $4  }
.Ltmp8:
0xb2: {  	_ = 	snop;
	(pc) =	sbr.rel @!p0 .LBB2_13-.Ltmp8, $4  }
0xb3: {  	_ =	swait.ge [sflag:s17], $0x2780  }
0xb4: {  	[sflag:s17] =	ssyncset.done $0x0  }
0xb5: {  	[sflag:s17] =	ssyncadd.s32 $0xFFFFD880  }
0xb6: {  	_ = 	snop  }
.LBB2_5:
.Ltmp9:
0xb7: {  	(pc) =	sbr.rel .LBB2_7-.Ltmp9, $2  }
0xb8: {  	_ =	sdelay $0x2  }
0xb9: {  	s25 =	simm.s32 $0x10  }
.LBB2_9:
.Ltmp10:
0xba: {  	(pc) =	sbr.rel .LBB2_12-.Ltmp10, $2  }
0xbb: {  	_ =	sdelay $0x2  }
0xbc: {  	s23 =	simm.s32 $0x10  }
.LBB2_13:
0xbd: {  	_ =	sfence.sel $0x180000  }
0xbe: {  	[bflag:$0x0] =	sbarrier.arrive $0xFFFF  }
0xbf: {  	p0 =	sne.s32 s2, $0x0;
	_ =	strace $0x90000047  }
0xc0: {  	s0 =	sadd.s32 @!p0 $0x100000, s0;
	[bflag:$0x2] =	sbarrier.arrive $0xFFFF  }
0xc1: {  	[sflag:s0] =	ssyncadd.tile.s32 @!p0 $0x1;
	_ =	shalt  }
.Lfunc_end2:
_tile_overlayer_lowered:
.L_overlay_start_2:
0xc2: {  	(tag) =	ssettag $0x2  }
0xc3: {  	s0 =	rddreg [dreg:$0x0];
	s2 =	stileid.u32  }
0xc4: {  	s1 =	rddreg [dreg:$0x1];
	p0 =	sne.s32 s2, $0x0  }
0xc5: {  	s3 =	rddreg [dreg:$0x2];
	[bflag:$0x3] =	sbarrier.arrive $0xFFFF;
	s2 =	simm.s32 @!p0 $0x1C02  }
0xc6: {  	[timem:s3], [sflag:s2] =	dma.local @!p0 [hbm:s0], s1  }
0xc7: {  	s0 =	simm.s32 @!p0 $0x2  }
0xc8: {  	_ =	swait.ge @!p0 [sflag:s0], s1  }
0xc9: {  	s1 =	ssub.s32 @!p0 $0x0, s1;
	[sflag:s0] =	ssyncset.done @!p0 $0x0  }
0xca: {  	[sflag:s0] =	ssyncadd.s32 @!p0 s1  }
0xcb: {  	[bflag:$0x3] =	sbarrier.arrive $0xFFFF  }
0xcc: {  	_ =	shalt  }

</sc_bundles>
